<compile_context>
chip_gen: v7x
topology: tpu7x:2x2x1
jax: 0.10.2.dev20260603
libtpu: 0.0.44.dev20260713+nightly
codegen_flags: <defaults>
</compile_context>

<pallas_src>
import functools

import jax
import jax.numpy as jnp
from jax import lax
from jax.experimental import pallas as pl
from jax.experimental.pallas import tpu as pltpu
from jax.experimental.pallas import tpu_sc as plsc

N = 51200
K = 1000
NC = 2
NS = 16
L = 16
NW = NC * NS
C = N // NW
V1 = C // L
CHUNK = 128
NFULL = C // CHUNK
REM = C - NFULL * CHUNK
ITILES = N // 128


def _build_sc_kernel():
    mesh = plsc.VectorSubcoreMesh(core_axis_name="c", subcore_axis_name="s")

    @functools.partial(
        pl.kernel,
        mesh=mesh,
        out_type=jax.ShapeDtypeStruct((N,), jnp.float32),
        compiler_params=pltpu.CompilerParams(needs_layout_passes=False),
        scratch_types=[
            pltpu.VMEM((C,), jnp.int32),
            pltpu.VMEM((C,), jnp.int32),
            pltpu.VMEM((C,), jnp.float32),
            pltpu.SemaphoreType.DMA,
        ],
    )
    def sc_kernel(prob_hbm, tgt_hbm, out_hbm, tgt_v, idx_v, gat_v, sem):
        wid = lax.axis_index("s") * NC + lax.axis_index("c")
        base = wid * C

        pltpu.sync_copy(tgt_hbm.at[pl.ds(base, C)], tgt_v)

        lane = lax.iota(jnp.int32, L)
        zero_f = jnp.zeros((L,), jnp.float32)

        def idx_body(v, carry):
            off = v * L
            j = tgt_v[pl.ds(off, L)]
            i = (base + off) + lane
            phys = ((((j >> 3) * ITILES + (i >> 7)) << 10)
                    + ((j & 7) << 7) + (i & 127))
            idx_v[pl.ds(off, L)] = phys
            return carry

        lax.fori_loop(0, V1, idx_body, 0)

        copies = []
        for c in range(NFULL):
            copies.append(pltpu.make_async_copy(
                prob_hbm.at[idx_v.at[pl.ds(c * CHUNK, CHUNK)]],
                gat_v.at[pl.ds(c * CHUNK, CHUNK)], sem))
        if REM:
            copies.append(pltpu.make_async_copy(
                prob_hbm.at[idx_v.at[pl.ds(NFULL * CHUNK, REM)]],
                gat_v.at[pl.ds(NFULL * CHUNK, REM)], sem))
        for cp in copies:
            cp.start()
        for cp in copies:
            cp.wait()

        def mask_body(v, carry):
            off = v * L
            g = gat_v[pl.ds(off, L)]
            t = tgt_v[pl.ds(off, L)]
            gat_v[pl.ds(off, L)] = jnp.where(t == 0, zero_f, g)
            return carry

        lax.fori_loop(0, V1, mask_body, 0)
        pltpu.sync_copy(gat_v, out_hbm.at[pl.ds(base, C)])

    return sc_kernel


_sc_kernel = _build_sc_kernel()


@jax.jit
def kernel(prob, target, reward):
    tgt = target.astype(jnp.int32)
    rew = reward.reshape((N,))
    prob_lin = (prob.T.reshape(K // 8, 8, ITILES, 128)
                .transpose(0, 2, 1, 3).reshape(N * K))
    gathered = _sc_kernel(prob_lin, tgt)
    return -jnp.sum(gathered * rew)

# --- scband reference (transcript-rebuilt; emitter-appended) ---
"""Pipeline reference for scband-ganloss-53515292508896 (READ-ONLY COPY).

The authoritative reference and input builder live on the scoring server;
editing this copy changes nothing except your own understanding.
"""

import jax, jax.numpy as jnp
import numpy as np

PADDING_IDX = 0

def setup_inputs(seed: int = 0) -> dict:
    key = jax.random.key(seed)
    k1, k2, k3 = jax.random.split(key, 3)
    prob = jax.random.uniform(k1, (51200, 1000), dtype=jnp.float32)
    target = jax.random.randint(k2, (51200,), 0, 1000, dtype=jnp.int64)
    reward = jax.random.uniform(k3, (1024, 50), dtype=jnp.float32)
    return {"prob": prob, "target": target, "reward": reward}

def reference(prob, target, reward):
    # mask = target.eq(padding_idx)
    mask = target == PADDING_IDX
    # one_hot scatter + masked_select == gather prob[i, target[i]]
    gathered = jnp.take_along_axis(prob, target[:, None], axis=1)[:, 0]
    # loss.masked_fill_(mask, 0.0)
    gathered = jnp.where(mask, jnp.zeros_like(gathered), gathered)
    # reward.view(B*L)
    r = reward.reshape((reward.shape[0] * reward.shape[1],))
    r = jax.lax.stop_gradient(r)  # reward.detach_()
    loss = gathered * r
    return -jnp.sum(loss)

if __name__ == "__main__":
    import jax
    _d = setup_inputs()
    print(jax.jit(kernel)(*tuple(_d.values())))

</pallas_src>

<mosaic_0001>
#map = affine_map<(d0, d1) -> (0)>
module attributes {stable_mosaic.version = 14 : i64} {
  func.func @sc_kernel(%arg0: i32, %arg1: i32, %arg2: memref<51200000xf32, #tpu.memory_space<hbm>>, %arg3: memref<51200xi32, #tpu.memory_space<hbm>>, %arg4: memref<51200xf32, #tpu.memory_space<hbm>>, %arg5: memref<1600xi32, #tpu.memory_space<vmem>>, %arg6: memref<1600xi32, #tpu.memory_space<vmem>>, %arg7: memref<1600xf32, #tpu.memory_space<vmem>>, %arg8: memref<!tpu.dma_semaphore, #tpu.memory_space<semaphore_mem>>) attributes {dimension_semantics = [#tpu.dimension_semantics<core_parallel>, #tpu.dimension_semantics<subcore_parallel>], iteration_bounds = array<i64: 2, 16>, scalar_prefetch = 0 : i64, scratch_operands = 4 : i64, tpu.core_type = #tpu.core_type<sc_vector_subcore>, window_params = [{transform_indices = #map}, {transform_indices = #map}, {transform_indices = #map}]} {
    %mul3A = arith.constant 2 : i32
    %mul3A_0 = arith.muli %arg1, %mul3A : i32
    %add3A = arith.addi %mul3A_0, %arg0 : i32
    %mul3A_1 = arith.constant 1600 : i32
    %mul3A_2 = arith.muli %add3A, %mul3A_1 : i32
    "tpu.region"() ({
      %run_scoped3A = tpu.sem_alloc : memref<!tpu.dma_semaphore, #tpu.memory_space<semaphore_mem>>
      %dma_start3A_169 = tpu.memref_slice %arg3[%mul3A_2] : memref<51200xi32, #tpu.memory_space<hbm>> -> memref<1600xi32, #tpu.memory_space<hbm>>
      %dma_start3A_170 = tpu.memref_slice %arg3[%mul3A_2] : memref<51200xi32, #tpu.memory_space<hbm>> -> memref<1600xi32, #tpu.memory_space<hbm>>
      tpu.enqueue_dma source(%dma_start3A_170 : memref<1600xi32, #tpu.memory_space<hbm>>) target(%arg5 : memref<1600xi32, #tpu.memory_space<vmem>>) target_semaphore(%run_scoped3A : memref<!tpu.dma_semaphore, #tpu.memory_space<semaphore_mem>>)
      %dma_wait3A_171 = tpu.memref_slice %arg3[%mul3A_2] : memref<51200xi32, #tpu.memory_space<hbm>> -> memref<1600xi32, #tpu.memory_space<hbm>>
      %dma_wait3A_172 = tpu.memref_slice %arg3[%mul3A_2] : memref<51200xi32, #tpu.memory_space<hbm>> -> memref<1600xi32, #tpu.memory_space<hbm>>
      tpu.wait_dma2 semaphore(%run_scoped3A : memref<!tpu.dma_semaphore, #tpu.memory_space<semaphore_mem>>) src(%dma_wait3A_172 : memref<1600xi32, #tpu.memory_space<hbm>>) dst(%arg5 : memref<1600xi32, #tpu.memory_space<vmem>>)
      tpu.yield
    }) : () -> ()
    %iota3A = tpu.iota {dimensions = array<i32: 0>} : vector<16xi32>
    %broadcast_in_dim3A = arith.constant 0.000000e+00 : f32
    %broadcast_in_dim3A_3 = vector.broadcast %broadcast_in_dim3A : f32 to vector<16xf32>
    %scan3A = arith.constant 0 : i32
    %scan3A_4 = arith.constant 0 : i32
    %scan3A_5 = arith.constant 100 : i32
    %scan3A_6 = arith.addi %scan3A_4, %scan3A_5 : i32
    %scan3A_7 = arith.constant 1 : i32
    scf.for %scan3A_169 = %scan3A_4 to %scan3A_6 step %scan3A_7  : i32 {
      %mul3A_170 = arith.constant 16 : i32
      %mul3A_171 = arith.muli %scan3A_169, %mul3A_170 : i32
      %get3A = arith.index_cast %mul3A_171 : i32 to index
      %get3A_172 = tpu.vector_load %arg5[%get3A] {strides = array<i32>} : memref<1600xi32, #tpu.memory_space<vmem>>, vector<16xi32>,
      %add3A_173 = arith.addi %mul3A_2, %mul3A_171 : i32
      %add3A_174 = vector.broadcast %add3A_173 : i32 to vector<16xi32>
      %add3A_175 = arith.addi %add3A_174, %iota3A : vector<16xi32>
      %shift_right_arithmetic3A = arith.constant 3 : i32
      %shift_right_arithmetic3A_176 = vector.broadcast %shift_right_arithmetic3A : i32 to vector<16xi32>
      %shift_right_arithmetic3A_177 = arith.shrsi %get3A_172, %shift_right_arithmetic3A_176 : vector<16xi32>
      %mul3A_178 = arith.constant 400 : i32
      %mul3A_179 = vector.broadcast %mul3A_178 : i32 to vector<16xi32>
      %mul3A_180 = arith.muli %shift_right_arithmetic3A_177, %mul3A_179 : vector<16xi32>
      %shift_right_arithmetic3A_181 = arith.constant 7 : i32
      %shift_right_arithmetic3A_182 = vector.broadcast %shift_right_arithmetic3A_181 : i32 to vector<16xi32>
      %shift_right_arithmetic3A_183 = arith.shrsi %add3A_175, %shift_right_arithmetic3A_182 : vector<16xi32>
      %add3A_184 = arith.addi %mul3A_180, %shift_right_arithmetic3A_183 : vector<16xi32>
      %shift_left3A = arith.constant 10 : i32
      %shift_left3A_185 = vector.broadcast %shift_left3A : i32 to vector<16xi32>
      %shift_left3A_186 = arith.shli %add3A_184, %shift_left3A_185 : vector<16xi32>
      %and3A = arith.constant 7 : i32
      %and3A_187 = vector.broadcast %and3A : i32 to vector<16xi32>
      %and3A_188 = arith.andi %get3A_172, %and3A_187 : vector<16xi32>
      %shift_left3A_189 = arith.constant 7 : i32
      %shift_left3A_190 = vector.broadcast %shift_left3A_189 : i32 to vector<16xi32>
      %shift_left3A_191 = arith.shli %and3A_188, %shift_left3A_190 : vector<16xi32>
      %add3A_192 = arith.addi %shift_left3A_186, %shift_left3A_191 : vector<16xi32>
      %and3A_193 = arith.constant 127 : i32
      %and3A_194 = vector.broadcast %and3A_193 : i32 to vector<16xi32>
      %and3A_195 = arith.andi %add3A_175, %and3A_194 : vector<16xi32>
      %add3A_196 = arith.addi %add3A_192, %and3A_195 : vector<16xi32>
      %swap3A = arith.index_cast %mul3A_171 : i32 to index
      %swap3A_197 = tpu.vector_load %arg6[%swap3A] {strides = array<i32>} : memref<1600xi32, #tpu.memory_space<vmem>>, vector<16xi32>,
      tpu.vector_store %arg6[%swap3A], %add3A_196 {strides = array<i32>} : memref<1600xi32, #tpu.memory_space<vmem>>, vector<16xi32>,
    }
    %scan3A_8 = arith.constant 100 : i32
    %dma_start3A = arith.constant 0 : i32
    %dma_start3A_9 = tpu.memref_slice %arg7[%dma_start3A] : memref<1600xf32, #tpu.memory_space<vmem>> -> memref<128xf32, #tpu.memory_space<vmem>>
    %dma_start3A_10 = arith.constant 0 : i32
    %dma_start3A_11 = tpu.memref_slice %arg6[%dma_start3A_10] : memref<1600xi32, #tpu.memory_space<vmem>> -> memref<128xi32, #tpu.memory_space<vmem>>
    %dma_start3A_12 = arith.constant 0 : i32
    %dma_start3A_13 = tpu.memref_slice %arg2[%dma_start3A_12] : memref<51200000xf32, #tpu.memory_space<hbm>> -> memref<51200000xf32, #tpu.memory_space<hbm>>
    tpu.enqueue_indirect_dma source(%dma_start3A_13 : memref<51200000xf32, #tpu.memory_space<hbm>>) target(%dma_start3A_9 : memref<128xf32, #tpu.memory_space<vmem>>) offsets(%dma_start3A_11 : memref<128xi32, #tpu.memory_space<vmem>>) semaphore(%arg8 : memref<!tpu.dma_semaphore, #tpu.memory_space<semaphore_mem>>)
    %dma_start3A_14 = arith.constant 128 : i32
    %dma_start3A_15 = tpu.memref_slice %arg7[%dma_start3A_14] : memref<1600xf32, #tpu.memory_space<vmem>> -> memref<128xf32, #tpu.memory_space<vmem>>
    %dma_start3A_16 = arith.constant 128 : i32
    %dma_start3A_17 = tpu.memref_slice %arg6[%dma_start3A_16] : memref<1600xi32, #tpu.memory_space<vmem>> -> memref<128xi32, #tpu.memory_space<vmem>>
    %dma_start3A_18 = arith.constant 0 : i32
    %dma_start3A_19 = tpu.memref_slice %arg2[%dma_start3A_18] : memref<51200000xf32, #tpu.memory_space<hbm>> -> memref<51200000xf32, #tpu.memory_space<hbm>>
    tpu.enqueue_indirect_dma source(%dma_start3A_19 : memref<51200000xf32, #tpu.memory_space<hbm>>) target(%dma_start3A_15 : memref<128xf32, #tpu.memory_space<vmem>>) offsets(%dma_start3A_17 : memref<128xi32, #tpu.memory_space<vmem>>) semaphore(%arg8 : memref<!tpu.dma_semaphore, #tpu.memory_space<semaphore_mem>>)
    %dma_start3A_20 = arith.constant 256 : i32
    %dma_start3A_21 = tpu.memref_slice %arg7[%dma_start3A_20] : memref<1600xf32, #tpu.memory_space<vmem>> -> memref<128xf32, #tpu.memory_space<vmem>>
    %dma_start3A_22 = arith.constant 256 : i32
    %dma_start3A_23 = tpu.memref_slice %arg6[%dma_start3A_22] : memref<1600xi32, #tpu.memory_space<vmem>> -> memref<128xi32, #tpu.memory_space<vmem>>
    %dma_start3A_24 = arith.constant 0 : i32
    %dma_start3A_25 = tpu.memref_slice %arg2[%dma_start3A_24] : memref<51200000xf32, #tpu.memory_space<hbm>> -> memref<51200000xf32, #tpu.memory_space<hbm>>
    tpu.enqueue_indirect_dma source(%dma_start3A_25 : memref<51200000xf32, #tpu.memory_space<hbm>>) target(%dma_start3A_21 : memref<128xf32, #tpu.memory_space<vmem>>) offsets(%dma_start3A_23 : memref<128xi32, #tpu.memory_space<vmem>>) semaphore(%arg8 : memref<!tpu.dma_semaphore, #tpu.memory_space<semaphore_mem>>)
    %dma_start3A_26 = arith.constant 384 : i32
    %dma_start3A_27 = tpu.memref_slice %arg7[%dma_start3A_26] : memref<1600xf32, #tpu.memory_space<vmem>> -> memref<128xf32, #tpu.memory_space<vmem>>
    %dma_start3A_28 = arith.constant 384 : i32
    %dma_start3A_29 = tpu.memref_slice %arg6[%dma_start3A_28] : memref<1600xi32, #tpu.memory_space<vmem>> -> memref<128xi32, #tpu.memory_space<vmem>>
    %dma_start3A_30 = arith.constant 0 : i32
    %dma_start3A_31 = tpu.memref_slice %arg2[%dma_start3A_30] : memref<51200000xf32, #tpu.memory_space<hbm>> -> memref<51200000xf32, #tpu.memory_space<hbm>>
    tpu.enqueue_indirect_dma source(%dma_start3A_31 : memref<51200000xf32, #tpu.memory_space<hbm>>) target(%dma_start3A_27 : memref<128xf32, #tpu.memory_space<vmem>>) offsets(%dma_start3A_29 : memref<128xi32, #tpu.memory_space<vmem>>) semaphore(%arg8 : memref<!tpu.dma_semaphore, #tpu.memory_space<semaphore_mem>>)
    %dma_start3A_32 = arith.constant 512 : i32
    %dma_start3A_33 = tpu.memref_slice %arg7[%dma_start3A_32] : memref<1600xf32, #tpu.memory_space<vmem>> -> memref<128xf32, #tpu.memory_space<vmem>>
    %dma_start3A_34 = arith.constant 512 : i32
    %dma_start3A_35 = tpu.memref_slice %arg6[%dma_start3A_34] : memref<1600xi32, #tpu.memory_space<vmem>> -> memref<128xi32, #tpu.memory_space<vmem>>
    %dma_start3A_36 = arith.constant 0 : i32
    %dma_start3A_37 = tpu.memref_slice %arg2[%dma_start3A_36] : memref<51200000xf32, #tpu.memory_space<hbm>> -> memref<51200000xf32, #tpu.memory_space<hbm>>
    tpu.enqueue_indirect_dma source(%dma_start3A_37 : memref<51200000xf32, #tpu.memory_space<hbm>>) target(%dma_start3A_33 : memref<128xf32, #tpu.memory_space<vmem>>) offsets(%dma_start3A_35 : memref<128xi32, #tpu.memory_space<vmem>>) semaphore(%arg8 : memref<!tpu.dma_semaphore, #tpu.memory_space<semaphore_mem>>)
    %dma_start3A_38 = arith.constant 640 : i32
    %dma_start3A_39 = tpu.memref_slice %arg7[%dma_start3A_38] : memref<1600xf32, #tpu.memory_space<vmem>> -> memref<128xf32, #tpu.memory_space<vmem>>
    %dma_start3A_40 = arith.constant 640 : i32
    %dma_start3A_41 = tpu.memref_slice %arg6[%dma_start3A_40] : memref<1600xi32, #tpu.memory_space<vmem>> -> memref<128xi32, #tpu.memory_space<vmem>>
    %dma_start3A_42 = arith.constant 0 : i32
    %dma_start3A_43 = tpu.memref_slice %arg2[%dma_start3A_42] : memref<51200000xf32, #tpu.memory_space<hbm>> -> memref<51200000xf32, #tpu.memory_space<hbm>>
    tpu.enqueue_indirect_dma source(%dma_start3A_43 : memref<51200000xf32, #tpu.memory_space<hbm>>) target(%dma_start3A_39 : memref<128xf32, #tpu.memory_space<vmem>>) offsets(%dma_start3A_41 : memref<128xi32, #tpu.memory_space<vmem>>) semaphore(%arg8 : memref<!tpu.dma_semaphore, #tpu.memory_space<semaphore_mem>>)
    %dma_start3A_44 = arith.constant 768 : i32
    %dma_start3A_45 = tpu.memref_slice %arg7[%dma_start3A_44] : memref<1600xf32, #tpu.memory_space<vmem>> -> memref<128xf32, #tpu.memory_space<vmem>>
    %dma_start3A_46 = arith.constant 768 : i32
    %dma_start3A_47 = tpu.memref_slice %arg6[%dma_start3A_46] : memref<1600xi32, #tpu.memory_space<vmem>> -> memref<128xi32, #tpu.memory_space<vmem>>
    %dma_start3A_48 = arith.constant 0 : i32
    %dma_start3A_49 = tpu.memref_slice %arg2[%dma_start3A_48] : memref<51200000xf32, #tpu.memory_space<hbm>> -> memref<51200000xf32, #tpu.memory_space<hbm>>
    tpu.enqueue_indirect_dma source(%dma_start3A_49 : memref<51200000xf32, #tpu.memory_space<hbm>>) target(%dma_start3A_45 : memref<128xf32, #tpu.memory_space<vmem>>) offsets(%dma_start3A_47 : memref<128xi32, #tpu.memory_space<vmem>>) semaphore(%arg8 : memref<!tpu.dma_semaphore, #tpu.memory_space<semaphore_mem>>)
    %dma_start3A_50 = arith.constant 896 : i32
    %dma_start3A_51 = tpu.memref_slice %arg7[%dma_start3A_50] : memref<1600xf32, #tpu.memory_space<vmem>> -> memref<128xf32, #tpu.memory_space<vmem>>
    %dma_start3A_52 = arith.constant 896 : i32
    %dma_start3A_53 = tpu.memref_slice %arg6[%dma_start3A_52] : memref<1600xi32, #tpu.memory_space<vmem>> -> memref<128xi32, #tpu.memory_space<vmem>>
    %dma_start3A_54 = arith.constant 0 : i32
    %dma_start3A_55 = tpu.memref_slice %arg2[%dma_start3A_54] : memref<51200000xf32, #tpu.memory_space<hbm>> -> memref<51200000xf32, #tpu.memory_space<hbm>>
    tpu.enqueue_indirect_dma source(%dma_start3A_55 : memref<51200000xf32, #tpu.memory_space<hbm>>) target(%dma_start3A_51 : memref<128xf32, #tpu.memory_space<vmem>>) offsets(%dma_start3A_53 : memref<128xi32, #tpu.memory_space<vmem>>) semaphore(%arg8 : memref<!tpu.dma_semaphore, #tpu.memory_space<semaphore_mem>>)
    %dma_start3A_56 = arith.constant 1024 : i32
    %dma_start3A_57 = tpu.memref_slice %arg7[%dma_start3A_56] : memref<1600xf32, #tpu.memory_space<vmem>> -> memref<128xf32, #tpu.memory_space<vmem>>
    %dma_start3A_58 = arith.constant 1024 : i32
    %dma_start3A_59 = tpu.memref_slice %arg6[%dma_start3A_58] : memref<1600xi32, #tpu.memory_space<vmem>> -> memref<128xi32, #tpu.memory_space<vmem>>
    %dma_start3A_60 = arith.constant 0 : i32
    %dma_start3A_61 = tpu.memref_slice %arg2[%dma_start3A_60] : memref<51200000xf32, #tpu.memory_space<hbm>> -> memref<51200000xf32, #tpu.memory_space<hbm>>
    tpu.enqueue_indirect_dma source(%dma_start3A_61 : memref<51200000xf32, #tpu.memory_space<hbm>>) target(%dma_start3A_57 : memref<128xf32, #tpu.memory_space<vmem>>) offsets(%dma_start3A_59 : memref<128xi32, #tpu.memory_space<vmem>>) semaphore(%arg8 : memref<!tpu.dma_semaphore, #tpu.memory_space<semaphore_mem>>)
    %dma_start3A_62 = arith.constant 1152 : i32
    %dma_start3A_63 = tpu.memref_slice %arg7[%dma_start3A_62] : memref<1600xf32, #tpu.memory_space<vmem>> -> memref<128xf32, #tpu.memory_space<vmem>>
    %dma_start3A_64 = arith.constant 1152 : i32
    %dma_start3A_65 = tpu.memref_slice %arg6[%dma_start3A_64] : memref<1600xi32, #tpu.memory_space<vmem>> -> memref<128xi32, #tpu.memory_space<vmem>>
    %dma_start3A_66 = arith.constant 0 : i32
    %dma_start3A_67 = tpu.memref_slice %arg2[%dma_start3A_66] : memref<51200000xf32, #tpu.memory_space<hbm>> -> memref<51200000xf32, #tpu.memory_space<hbm>>
    tpu.enqueue_indirect_dma source(%dma_start3A_67 : memref<51200000xf32, #tpu.memory_space<hbm>>) target(%dma_start3A_63 : memref<128xf32, #tpu.memory_space<vmem>>) offsets(%dma_start3A_65 : memref<128xi32, #tpu.memory_space<vmem>>) semaphore(%arg8 : memref<!tpu.dma_semaphore, #tpu.memory_space<semaphore_mem>>)
    %dma_start3A_68 = arith.constant 1280 : i32
    %dma_start3A_69 = tpu.memref_slice %arg7[%dma_start3A_68] : memref<1600xf32, #tpu.memory_space<vmem>> -> memref<128xf32, #tpu.memory_space<vmem>>
    %dma_start3A_70 = arith.constant 1280 : i32
    %dma_start3A_71 = tpu.memref_slice %arg6[%dma_start3A_70] : memref<1600xi32, #tpu.memory_space<vmem>> -> memref<128xi32, #tpu.memory_space<vmem>>
    %dma_start3A_72 = arith.constant 0 : i32
    %dma_start3A_73 = tpu.memref_slice %arg2[%dma_start3A_72] : memref<51200000xf32, #tpu.memory_space<hbm>> -> memref<51200000xf32, #tpu.memory_space<hbm>>
    tpu.enqueue_indirect_dma source(%dma_start3A_73 : memref<51200000xf32, #tpu.memory_space<hbm>>) target(%dma_start3A_69 : memref<128xf32, #tpu.memory_space<vmem>>) offsets(%dma_start3A_71 : memref<128xi32, #tpu.memory_space<vmem>>) semaphore(%arg8 : memref<!tpu.dma_semaphore, #tpu.memory_space<semaphore_mem>>)
    %dma_start3A_74 = arith.constant 1408 : i32
    %dma_start3A_75 = tpu.memref_slice %arg7[%dma_start3A_74] : memref<1600xf32, #tpu.memory_space<vmem>> -> memref<128xf32, #tpu.memory_space<vmem>>
    %dma_start3A_76 = arith.constant 1408 : i32
    %dma_start3A_77 = tpu.memref_slice %arg6[%dma_start3A_76] : memref<1600xi32, #tpu.memory_space<vmem>> -> memref<128xi32, #tpu.memory_space<vmem>>
    %dma_start3A_78 = arith.constant 0 : i32
    %dma_start3A_79 = tpu.memref_slice %arg2[%dma_start3A_78] : memref<51200000xf32, #tpu.memory_space<hbm>> -> memref<51200000xf32, #tpu.memory_space<hbm>>
    tpu.enqueue_indirect_dma source(%dma_start3A_79 : memref<51200000xf32, #tpu.memory_space<hbm>>) target(%dma_start3A_75 : memref<128xf32, #tpu.memory_space<vmem>>) offsets(%dma_start3A_77 : memref<128xi32, #tpu.memory_space<vmem>>) semaphore(%arg8 : memref<!tpu.dma_semaphore, #tpu.memory_space<semaphore_mem>>)
    %dma_start3A_80 = arith.constant 1536 : i32
    %dma_start3A_81 = tpu.memref_slice %arg7[%dma_start3A_80] : memref<1600xf32, #tpu.memory_space<vmem>> -> memref<64xf32, #tpu.memory_space<vmem>>
    %dma_start3A_82 = arith.constant 1536 : i32
    %dma_start3A_83 = tpu.memref_slice %arg6[%dma_start3A_82] : memref<1600xi32, #tpu.memory_space<vmem>> -> memref<64xi32, #tpu.memory_space<vmem>>
    %dma_start3A_84 = arith.constant 0 : i32
    %dma_start3A_85 = tpu.memref_slice %arg2[%dma_start3A_84] : memref<51200000xf32, #tpu.memory_space<hbm>> -> memref<51200000xf32, #tpu.memory_space<hbm>>
    tpu.enqueue_indirect_dma source(%dma_start3A_85 : memref<51200000xf32, #tpu.memory_space<hbm>>) target(%dma_start3A_81 : memref<64xf32, #tpu.memory_space<vmem>>) offsets(%dma_start3A_83 : memref<64xi32, #tpu.memory_space<vmem>>) semaphore(%arg8 : memref<!tpu.dma_semaphore, #tpu.memory_space<semaphore_mem>>)
    %dma_wait3A = arith.constant 0 : i32
    %dma_wait3A_86 = tpu.memref_slice %arg7[%dma_wait3A] : memref<1600xf32, #tpu.memory_space<vmem>> -> memref<128xf32, #tpu.memory_space<vmem>>
    %dma_wait3A_87 = arith.constant 0 : i32
    %dma_wait3A_88 = tpu.memref_slice %arg6[%dma_wait3A_87] : memref<1600xi32, #tpu.memory_space<vmem>> -> memref<128xi32, #tpu.memory_space<vmem>>
    %dma_wait3A_89 = arith.constant 0 : i32
    %dma_wait3A_90 = tpu.memref_slice %arg2[%dma_wait3A_89] : memref<51200000xf32, #tpu.memory_space<hbm>> -> memref<51200000xf32, #tpu.memory_space<hbm>>
    tpu.wait_indirect_dma semaphore(%arg8 : memref<!tpu.dma_semaphore, #tpu.memory_space<semaphore_mem>>) src(%dma_wait3A_90 : memref<51200000xf32, #tpu.memory_space<hbm>>) dst(%dma_wait3A_86 : memref<128xf32, #tpu.memory_space<vmem>>)
    %dma_wait3A_91 = arith.constant 128 : i32
    %dma_wait3A_92 = tpu.memref_slice %arg7[%dma_wait3A_91] : memref<1600xf32, #tpu.memory_space<vmem>> -> memref<128xf32, #tpu.memory_space<vmem>>
    %dma_wait3A_93 = arith.constant 128 : i32
    %dma_wait3A_94 = tpu.memref_slice %arg6[%dma_wait3A_93] : memref<1600xi32, #tpu.memory_space<vmem>> -> memref<128xi32, #tpu.memory_space<vmem>>
    %dma_wait3A_95 = arith.constant 0 : i32
    %dma_wait3A_96 = tpu.memref_slice %arg2[%dma_wait3A_95] : memref<51200000xf32, #tpu.memory_space<hbm>> -> memref<51200000xf32, #tpu.memory_space<hbm>>
    tpu.wait_indirect_dma semaphore(%arg8 : memref<!tpu.dma_semaphore, #tpu.memory_space<semaphore_mem>>) src(%dma_wait3A_96 : memref<51200000xf32, #tpu.memory_space<hbm>>) dst(%dma_wait3A_92 : memref<128xf32, #tpu.memory_space<vmem>>)
    %dma_wait3A_97 = arith.constant 256 : i32
    %dma_wait3A_98 = tpu.memref_slice %arg7[%dma_wait3A_97] : memref<1600xf32, #tpu.memory_space<vmem>> -> memref<128xf32, #tpu.memory_space<vmem>>
    %dma_wait3A_99 = arith.constant 256 : i32
    %dma_wait3A_100 = tpu.memref_slice %arg6[%dma_wait3A_99] : memref<1600xi32, #tpu.memory_space<vmem>> -> memref<128xi32, #tpu.memory_space<vmem>>
    %dma_wait3A_101 = arith.constant 0 : i32
    %dma_wait3A_102 = tpu.memref_slice %arg2[%dma_wait3A_101] : memref<51200000xf32, #tpu.memory_space<hbm>> -> memref<51200000xf32, #tpu.memory_space<hbm>>
    tpu.wait_indirect_dma semaphore(%arg8 : memref<!tpu.dma_semaphore, #tpu.memory_space<semaphore_mem>>) src(%dma_wait3A_102 : memref<51200000xf32, #tpu.memory_space<hbm>>) dst(%dma_wait3A_98 : memref<128xf32, #tpu.memory_space<vmem>>)
    %dma_wait3A_103 = arith.constant 384 : i32
    %dma_wait3A_104 = tpu.memref_slice %arg7[%dma_wait3A_103] : memref<1600xf32, #tpu.memory_space<vmem>> -> memref<128xf32, #tpu.memory_space<vmem>>
    %dma_wait3A_105 = arith.constant 384 : i32
    %dma_wait3A_106 = tpu.memref_slice %arg6[%dma_wait3A_105] : memref<1600xi32, #tpu.memory_space<vmem>> -> memref<128xi32, #tpu.memory_space<vmem>>
    %dma_wait3A_107 = arith.constant 0 : i32
    %dma_wait3A_108 = tpu.memref_slice %arg2[%dma_wait3A_107] : memref<51200000xf32, #tpu.memory_space<hbm>> -> memref<51200000xf32, #tpu.memory_space<hbm>>
    tpu.wait_indirect_dma semaphore(%arg8 : memref<!tpu.dma_semaphore, #tpu.memory_space<semaphore_mem>>) src(%dma_wait3A_108 : memref<51200000xf32, #tpu.memory_space<hbm>>) dst(%dma_wait3A_104 : memref<128xf32, #tpu.memory_space<vmem>>)
    %dma_wait3A_109 = arith.constant 512 : i32
    %dma_wait3A_110 = tpu.memref_slice %arg7[%dma_wait3A_109] : memref<1600xf32, #tpu.memory_space<vmem>> -> memref<128xf32, #tpu.memory_space<vmem>>
    %dma_wait3A_111 = arith.constant 512 : i32
    %dma_wait3A_112 = tpu.memref_slice %arg6[%dma_wait3A_111] : memref<1600xi32, #tpu.memory_space<vmem>> -> memref<128xi32, #tpu.memory_space<vmem>>
    %dma_wait3A_113 = arith.constant 0 : i32
    %dma_wait3A_114 = tpu.memref_slice %arg2[%dma_wait3A_113] : memref<51200000xf32, #tpu.memory_space<hbm>> -> memref<51200000xf32, #tpu.memory_space<hbm>>
    tpu.wait_indirect_dma semaphore(%arg8 : memref<!tpu.dma_semaphore, #tpu.memory_space<semaphore_mem>>) src(%dma_wait3A_114 : memref<51200000xf32, #tpu.memory_space<hbm>>) dst(%dma_wait3A_110 : memref<128xf32, #tpu.memory_space<vmem>>)
    %dma_wait3A_115 = arith.constant 640 : i32
    %dma_wait3A_116 = tpu.memref_slice %arg7[%dma_wait3A_115] : memref<1600xf32, #tpu.memory_space<vmem>> -> memref<128xf32, #tpu.memory_space<vmem>>
    %dma_wait3A_117 = arith.constant 640 : i32
    %dma_wait3A_118 = tpu.memref_slice %arg6[%dma_wait3A_117] : memref<1600xi32, #tpu.memory_space<vmem>> -> memref<128xi32, #tpu.memory_space<vmem>>
    %dma_wait3A_119 = arith.constant 0 : i32
    %dma_wait3A_120 = tpu.memref_slice %arg2[%dma_wait3A_119] : memref<51200000xf32, #tpu.memory_space<hbm>> -> memref<51200000xf32, #tpu.memory_space<hbm>>
    tpu.wait_indirect_dma semaphore(%arg8 : memref<!tpu.dma_semaphore, #tpu.memory_space<semaphore_mem>>) src(%dma_wait3A_120 : memref<51200000xf32, #tpu.memory_space<hbm>>) dst(%dma_wait3A_116 : memref<128xf32, #tpu.memory_space<vmem>>)
    %dma_wait3A_121 = arith.constant 768 : i32
    %dma_wait3A_122 = tpu.memref_slice %arg7[%dma_wait3A_121] : memref<1600xf32, #tpu.memory_space<vmem>> -> memref<128xf32, #tpu.memory_space<vmem>>
    %dma_wait3A_123 = arith.constant 768 : i32
    %dma_wait3A_124 = tpu.memref_slice %arg6[%dma_wait3A_123] : memref<1600xi32, #tpu.memory_space<vmem>> -> memref<128xi32, #tpu.memory_space<vmem>>
    %dma_wait3A_125 = arith.constant 0 : i32
    %dma_wait3A_126 = tpu.memref_slice %arg2[%dma_wait3A_125] : memref<51200000xf32, #tpu.memory_space<hbm>> -> memref<51200000xf32, #tpu.memory_space<hbm>>
    tpu.wait_indirect_dma semaphore(%arg8 : memref<!tpu.dma_semaphore, #tpu.memory_space<semaphore_mem>>) src(%dma_wait3A_126 : memref<51200000xf32, #tpu.memory_space<hbm>>) dst(%dma_wait3A_122 : memref<128xf32, #tpu.memory_space<vmem>>)
    %dma_wait3A_127 = arith.constant 896 : i32
    %dma_wait3A_128 = tpu.memref_slice %arg7[%dma_wait3A_127] : memref<1600xf32, #tpu.memory_space<vmem>> -> memref<128xf32, #tpu.memory_space<vmem>>
    %dma_wait3A_129 = arith.constant 896 : i32
    %dma_wait3A_130 = tpu.memref_slice %arg6[%dma_wait3A_129] : memref<1600xi32, #tpu.memory_space<vmem>> -> memref<128xi32, #tpu.memory_space<vmem>>
    %dma_wait3A_131 = arith.constant 0 : i32
    %dma_wait3A_132 = tpu.memref_slice %arg2[%dma_wait3A_131] : memref<51200000xf32, #tpu.memory_space<hbm>> -> memref<51200000xf32, #tpu.memory_space<hbm>>
    tpu.wait_indirect_dma semaphore(%arg8 : memref<!tpu.dma_semaphore, #tpu.memory_space<semaphore_mem>>) src(%dma_wait3A_132 : memref<51200000xf32, #tpu.memory_space<hbm>>) dst(%dma_wait3A_128 : memref<128xf32, #tpu.memory_space<vmem>>)
    %dma_wait3A_133 = arith.constant 1024 : i32
    %dma_wait3A_134 = tpu.memref_slice %arg7[%dma_wait3A_133] : memref<1600xf32, #tpu.memory_space<vmem>> -> memref<128xf32, #tpu.memory_space<vmem>>
    %dma_wait3A_135 = arith.constant 1024 : i32
    %dma_wait3A_136 = tpu.memref_slice %arg6[%dma_wait3A_135] : memref<1600xi32, #tpu.memory_space<vmem>> -> memref<128xi32, #tpu.memory_space<vmem>>
    %dma_wait3A_137 = arith.constant 0 : i32
    %dma_wait3A_138 = tpu.memref_slice %arg2[%dma_wait3A_137] : memref<51200000xf32, #tpu.memory_space<hbm>> -> memref<51200000xf32, #tpu.memory_space<hbm>>
    tpu.wait_indirect_dma semaphore(%arg8 : memref<!tpu.dma_semaphore, #tpu.memory_space<semaphore_mem>>) src(%dma_wait3A_138 : memref<51200000xf32, #tpu.memory_space<hbm>>) dst(%dma_wait3A_134 : memref<128xf32, #tpu.memory_space<vmem>>)
    %dma_wait3A_139 = arith.constant 1152 : i32
    %dma_wait3A_140 = tpu.memref_slice %arg7[%dma_wait3A_139] : memref<1600xf32, #tpu.memory_space<vmem>> -> memref<128xf32, #tpu.memory_space<vmem>>
    %dma_wait3A_141 = arith.constant 1152 : i32
    %dma_wait3A_142 = tpu.memref_slice %arg6[%dma_wait3A_141] : memref<1600xi32, #tpu.memory_space<vmem>> -> memref<128xi32, #tpu.memory_space<vmem>>
    %dma_wait3A_143 = arith.constant 0 : i32
    %dma_wait3A_144 = tpu.memref_slice %arg2[%dma_wait3A_143] : memref<51200000xf32, #tpu.memory_space<hbm>> -> memref<51200000xf32, #tpu.memory_space<hbm>>
    tpu.wait_indirect_dma semaphore(%arg8 : memref<!tpu.dma_semaphore, #tpu.memory_space<semaphore_mem>>) src(%dma_wait3A_144 : memref<51200000xf32, #tpu.memory_space<hbm>>) dst(%dma_wait3A_140 : memref<128xf32, #tpu.memory_space<vmem>>)
    %dma_wait3A_145 = arith.constant 1280 : i32
    %dma_wait3A_146 = tpu.memref_slice %arg7[%dma_wait3A_145] : memref<1600xf32, #tpu.memory_space<vmem>> -> memref<128xf32, #tpu.memory_space<vmem>>
    %dma_wait3A_147 = arith.constant 1280 : i32
    %dma_wait3A_148 = tpu.memref_slice %arg6[%dma_wait3A_147] : memref<1600xi32, #tpu.memory_space<vmem>> -> memref<128xi32, #tpu.memory_space<vmem>>
    %dma_wait3A_149 = arith.constant 0 : i32
    %dma_wait3A_150 = tpu.memref_slice %arg2[%dma_wait3A_149] : memref<51200000xf32, #tpu.memory_space<hbm>> -> memref<51200000xf32, #tpu.memory_space<hbm>>
    tpu.wait_indirect_dma semaphore(%arg8 : memref<!tpu.dma_semaphore, #tpu.memory_space<semaphore_mem>>) src(%dma_wait3A_150 : memref<51200000xf32, #tpu.memory_space<hbm>>) dst(%dma_wait3A_146 : memref<128xf32, #tpu.memory_space<vmem>>)
    %dma_wait3A_151 = arith.constant 1408 : i32
    %dma_wait3A_152 = tpu.memref_slice %arg7[%dma_wait3A_151] : memref<1600xf32, #tpu.memory_space<vmem>> -> memref<128xf32, #tpu.memory_space<vmem>>
    %dma_wait3A_153 = arith.constant 1408 : i32
    %dma_wait3A_154 = tpu.memref_slice %arg6[%dma_wait3A_153] : memref<1600xi32, #tpu.memory_space<vmem>> -> memref<128xi32, #tpu.memory_space<vmem>>
    %dma_wait3A_155 = arith.constant 0 : i32
    %dma_wait3A_156 = tpu.memref_slice %arg2[%dma_wait3A_155] : memref<51200000xf32, #tpu.memory_space<hbm>> -> memref<51200000xf32, #tpu.memory_space<hbm>>
    tpu.wait_indirect_dma semaphore(%arg8 : memref<!tpu.dma_semaphore, #tpu.memory_space<semaphore_mem>>) src(%dma_wait3A_156 : memref<51200000xf32, #tpu.memory_space<hbm>>) dst(%dma_wait3A_152 : memref<128xf32, #tpu.memory_space<vmem>>)
    %dma_wait3A_157 = arith.constant 1536 : i32
    %dma_wait3A_158 = tpu.memref_slice %arg7[%dma_wait3A_157] : memref<1600xf32, #tpu.memory_space<vmem>> -> memref<64xf32, #tpu.memory_space<vmem>>
    %dma_wait3A_159 = arith.constant 1536 : i32
    %dma_wait3A_160 = tpu.memref_slice %arg6[%dma_wait3A_159] : memref<1600xi32, #tpu.memory_space<vmem>> -> memref<64xi32, #tpu.memory_space<vmem>>
    %dma_wait3A_161 = arith.constant 0 : i32
    %dma_wait3A_162 = tpu.memref_slice %arg2[%dma_wait3A_161] : memref<51200000xf32, #tpu.memory_space<hbm>> -> memref<51200000xf32, #tpu.memory_space<hbm>>
    tpu.wait_indirect_dma semaphore(%arg8 : memref<!tpu.dma_semaphore, #tpu.memory_space<semaphore_mem>>) src(%dma_wait3A_162 : memref<51200000xf32, #tpu.memory_space<hbm>>) dst(%dma_wait3A_158 : memref<64xf32, #tpu.memory_space<vmem>>)
    %scan3A_163 = arith.constant 0 : i32
    %scan3A_164 = arith.constant 0 : i32
    %scan3A_165 = arith.constant 100 : i32
    %scan3A_166 = arith.addi %scan3A_164, %scan3A_165 : i32
    %scan3A_167 = arith.constant 1 : i32
    scf.for %scan3A_169 = %scan3A_164 to %scan3A_166 step %scan3A_167  : i32 {
      %mul3A_170 = arith.constant 16 : i32
      %mul3A_171 = arith.muli %scan3A_169, %mul3A_170 : i32
      %get3A = arith.index_cast %mul3A_171 : i32 to index
      %get3A_172 = tpu.vector_load %arg7[%get3A] {strides = array<i32>} : memref<1600xf32, #tpu.memory_space<vmem>>, vector<16xf32>,
      %get3A_173 = arith.index_cast %mul3A_171 : i32 to index
      %get3A_174 = tpu.vector_load %arg5[%get3A_173] {strides = array<i32>} : memref<1600xi32, #tpu.memory_space<vmem>>, vector<16xi32>,
      %eq3A = arith.constant 0 : i32
      %eq3A_175 = vector.broadcast %eq3A : i32 to vector<16xi32>
      %eq3A_176 = arith.cmpi eq, %get3A_174, %eq3A_175 : vector<16xi32>
      %select_n3A = arith.select %eq3A_176, %broadcast_in_dim3A_3, %get3A_172 : vector<16xi1>, vector<16xf32>
      %swap3A = arith.index_cast %mul3A_171 : i32 to index
      %swap3A_177 = tpu.vector_load %arg7[%swap3A] {strides = array<i32>} : memref<1600xf32, #tpu.memory_space<vmem>>, vector<16xf32>,
      tpu.vector_store %arg7[%swap3A], %select_n3A {strides = array<i32>} : memref<1600xf32, #tpu.memory_space<vmem>>, vector<16xf32>,
    }
    %scan3A_168 = arith.constant 100 : i32
    "tpu.region"() ({
      %run_scoped3A = tpu.sem_alloc : memref<!tpu.dma_semaphore, #tpu.memory_space<semaphore_mem>>
      %dma_start3A_169 = tpu.memref_slice %arg4[%mul3A_2] : memref<51200xf32, #tpu.memory_space<hbm>> -> memref<1600xf32, #tpu.memory_space<hbm>>
      %dma_start3A_170 = tpu.memref_slice %arg4[%mul3A_2] : memref<51200xf32, #tpu.memory_space<hbm>> -> memref<1600xf32, #tpu.memory_space<hbm>>
      tpu.enqueue_dma source(%arg7 : memref<1600xf32, #tpu.memory_space<vmem>>) target(%dma_start3A_170 : memref<1600xf32, #tpu.memory_space<hbm>>) target_semaphore(%run_scoped3A : memref<!tpu.dma_semaphore, #tpu.memory_space<semaphore_mem>>)
      %dma_wait3A_171 = tpu.memref_slice %arg4[%mul3A_2] : memref<51200xf32, #tpu.memory_space<hbm>> -> memref<1600xf32, #tpu.memory_space<hbm>>
      %dma_wait3A_172 = tpu.memref_slice %arg4[%mul3A_2] : memref<51200xf32, #tpu.memory_space<hbm>> -> memref<1600xf32, #tpu.memory_space<hbm>>
      tpu.wait_dma2 semaphore(%run_scoped3A : memref<!tpu.dma_semaphore, #tpu.memory_space<semaphore_mem>>) src(%arg7 : memref<1600xf32, #tpu.memory_space<vmem>>) dst(%dma_wait3A_172 : memref<1600xf32, #tpu.memory_space<hbm>>)
      tpu.yield
    }) : () -> ()
    return
  }
}

</mosaic_0001>

<sc_bundles>
// kernel: kernel.3.cloned.1.call-start
scs
__scs_entry_jumppad:
0x0: {  	(pc) =	sbr.rel $0x88, $3  }
0x1: {  	(tag) =	ssettag $0x0;
	lr =	simm.s32 $0x1  }
0x2: {  	[smem:$0x3F9E] =	sst lr;
	_ =	strace $0xD0000000  }
0x3: {  	_ = 	snop  }
0x4: {  	_ = 	snop  }
0x5: {  	_ = 	snop  }
0x6: {  	_ = 	snop  }
0x7: {  	_ = 	snop  }
__scs_overlays_trampoline_lowered:
0x8: {  	[smem:$0x3FAD] =	sst s0  }
0x9: {  	[smem:$0x3FAE] =	sst s1  }
0xa: {  	[smem:$0x3FAF] =	sst s2  }
0xb: {  	[smem:$0x3FB0] =	sst s3  }
0xc: {  	[smem:$0x3FB1] =	sst s4  }
0xd: {  	[smem:$0x3FB2] =	sst s5  }
0xe: {  	[smem:$0x3FB3] =	sst s6  }
0xf: {  	[smem:$0x3FB4] =	sst s7  }
0x10: {  	[smem:$0x3FB5] =	sst s8  }
0x11: {  	[smem:$0x3FB6] =	sst s9;
	s0 =	simm.s32 @!p0 $0x0  }
0x12: {  	s1 =	sld [smem:$0x3F9C];
	s0 =	simm.s32 @p0 $0x1  }
0x13: {  	[smem:$0x3FB7] =	sst s0;
	s0 =	simm.s32 @!p1 $0x0  }
0x14: {  	s2 =	sld [smem:$0x3F9B];
	s0 =	simm.s32 @p1 $0x1  }
0x15: {  	[smem:$0x3FB8] =	sst s0;
	s0 =	simm.s32 @!p2 $0x0  }
0x16: {  	s3 =	sld [smem:$0x3FDB];
	s0 =	simm.s32 @p2 $0x1  }
0x17: {  	s4 =	simm.s32 $0x1BF5;
	[smem:$0x3FBA] =	sst s0  }
0x18: {  	s0 =	sld [smem:$0x3F9D];
	_ =	swait.ge [sflag:s4], $0x0  }
0x19: {  	s7 =	sld [smem:$0x3F9E]  }
0x1a: {  	s8 =	sadd.s32 $0xFFFFE003, lr  }
0x1b: {  	s9 =	sadd.s32 $0xFFFFFEF7, lr;
	s5 =	simm.s32 $0xFFFFFFFF;
	p2 =	slt.u32 s8, $0xFFFFF086  }
0x1c: {  	p1 =	slt.u32 s9, $0xF7A;
	s5 =	simm.s32 @!p2 $0x0  }
0x1d: {  	s5 =	simm.s32 @p1 $0x1;
	p0 =	seq.s32 s7, s2  }
0x1e: {  	s7 =	smul.u32 @!p0 $0xF7A, s2;
	p2 =	seq.s32 @!p0 s5, $0x0  }
0x1f: {  	s9 =	smul.u32 $0xF7A, s1;
	s8 =	simm.s32 @!p0 $0x1BF5;
	p2 =	por !p2, p0  }
0x20: {  	[sflag:s8] =	ssyncset.s32 @!p0 $0xFFFFF086;
	s6 =	sadd.s32 @!p0 s3, s7;
	s7 =	simm.s32 @!p0 $0x108  }
0x21: {  	s3 =	sadd.s32 s3, s9;
	s6 =	sadd.s32 @!p0 $0x88, s6;
	s7 =	simm.s32 @p2 $0x1082  }
0x22: {  	[simem:s7], [sflag:s8] =	dma.local @!p0 [hbm:s6], $0xF7A  }
0x23: {  	s9 =	sor.u32 $0xD0000000, s2;
	s6 =	simm.s32 $0x108;
	_ =	swait.ge @!p0 [sflag:s8], $0x0  }
0x24: {  	s3 =	sadd.s32 $0x88, s3;
	s6 =	simm.s32 @!p1 $0x1082;
	[sflag:s4] =	ssyncset.s32 $0xFFFFF086  }
0x25: {  	[simem:s6], [sflag:s4] =	dma.local [hbm:s3], $0xF7A  }
0x26: {  	[smem:$0x3F9E] =	sst s1;
	(tag) =	ssettag s2;
	_ =	strace s9  }
0x27: {  	s1 =	sld [smem:$0x3FAE]  }
0x28: {  	s2 =	sld [smem:$0x3FAF]  }
0x29: {  	s4 =	sld [smem:$0x3FB1]  }
0x2a: {  	p0 =	seq.s32 s5, $0x0;
	s5 =	sld [smem:$0x3FB2]  }
0x2b: {  	s6 =	sld [smem:$0x3FB3]  }
0x2c: {  	s7 =	sld [smem:$0x3FB4]  }
0x2d: {  	s3 =	simm.s32 $0x108;
	s8 =	sld [smem:$0x3FB5]  }
0x2e: {  	s3 =	simm.s32 @!p0 $0x1082;
	s9 =	sld [smem:$0x3FB6]  }
0x2f: {  	lr =	sadd.s32 s0, s3;
	s0 =	sld [smem:$0x3FAD]  }
0x30: {  	s3 =	sld [smem:$0x3FB0]  }
0x31: {  	[smem:$0x3FB9] =	sst s10  }
0x32: {  	s10 =	sld [smem:$0x3FB7];
	_ =	sdelay $0x3  }
0x33: {  	p0 =	seq.s32 s10, $0x1;
	s10 =	sld [smem:$0x3FB9];
	_ =	sdelay $0x3  }
0x34: {  	[smem:$0x3FB9] =	sst s10  }
0x35: {  	s10 =	sld [smem:$0x3FB8];
	_ =	sdelay $0x3  }
0x36: {  	p1 =	seq.s32 s10, $0x1;
	s10 =	sld [smem:$0x3FB9];
	_ =	sdelay $0x3  }
0x37: {  	[smem:$0x3FB9] =	sst s10  }
0x38: {  	s10 =	sld [smem:$0x3FBA]  }
0x39: {  	_ = 	snop;
	(pc) =	sbr.ind lr, $3  }
0x3a: {  	_ = 	snop  }
0x3b: {  	_ = 	snop  }
0x3c: {  	p2 =	seq.s32 s10, $0x1;
	s10 =	sld [smem:$0x3FB9]  }
0x3d: {  	_ =	shalt  }
0x3e: {  	_ =	shalt  }
0x3f: {  	_ =	shalt  }
0x40: {  	_ =	shalt  }
0x41: {  	_ =	shalt  }
0x42: {  	_ =	shalt  }
0x43: {  	_ =	shalt  }
0x44: {  	_ =	shalt  }
0x45: {  	_ =	shalt  }
0x46: {  	_ =	shalt  }
0x47: {  	_ =	shalt  }
0x48: {  	_ =	shalt  }
0x49: {  	_ =	shalt  }
0x4a: {  	_ =	shalt  }
0x4b: {  	_ =	shalt  }
0x4c: {  	_ =	shalt  }
0x4d: {  	_ =	shalt  }
0x4e: {  	_ =	shalt  }
0x4f: {  	_ =	shalt  }
0x50: {  	_ =	shalt  }
0x51: {  	_ =	shalt  }
0x52: {  	_ =	shalt  }
0x53: {  	_ =	shalt  }
0x54: {  	_ =	shalt  }
0x55: {  	_ =	shalt  }
0x56: {  	_ =	shalt  }
0x57: {  	_ =	shalt  }
0x58: {  	_ =	shalt  }
0x59: {  	_ =	shalt  }
0x5a: {  	_ =	shalt  }
0x5b: {  	_ =	shalt  }
0x5c: {  	_ =	shalt  }
0x5d: {  	_ =	shalt  }
0x5e: {  	_ =	shalt  }
0x5f: {  	_ =	shalt  }
0x60: {  	_ =	shalt  }
0x61: {  	_ =	shalt  }
0x62: {  	_ =	shalt  }
0x63: {  	_ =	shalt  }
0x64: {  	_ =	shalt  }
0x65: {  	_ =	shalt  }
0x66: {  	_ =	shalt  }
0x67: {  	_ =	shalt  }
0x68: {  	_ =	shalt  }
0x69: {  	_ =	shalt  }
0x6a: {  	_ =	shalt  }
0x6b: {  	_ =	shalt  }
0x6c: {  	_ =	shalt  }
0x6d: {  	_ =	shalt  }
0x6e: {  	_ =	shalt  }
0x6f: {  	_ =	shalt  }
0x70: {  	_ =	shalt  }
0x71: {  	_ =	shalt  }
0x72: {  	_ =	shalt  }
0x73: {  	_ =	shalt  }
0x74: {  	_ =	shalt  }
0x75: {  	_ =	shalt  }
0x76: {  	_ =	shalt  }
0x77: {  	_ =	shalt  }
0x78: {  	_ =	shalt  }
0x79: {  	_ =	shalt  }
0x7a: {  	_ =	shalt  }
0x7b: {  	_ =	shalt  }
0x7c: {  	_ =	shalt  }
0x7d: {  	_ =	shalt  }
0x7e: {  	_ =	shalt  }
0x7f: {  	_ =	shalt  }
0x80: {  	_ =	shalt  }
0x81: {  	_ =	shalt  }
0x82: {  	_ =	shalt  }
0x83: {  	_ =	shalt  }
0x84: {  	_ =	shalt  }
0x85: {  	_ =	shalt  }
0x86: {  	_ =	shalt  }
0x87: {  	_ =	shalt  }
.Lfunc_end0:
.L_simem_size_0:
called_computation_lowered:
.L_overlay_start_0:
0x88: {  	s2 =	sld [smem:$0x3FD9]  }
0x89: {  	s3 =	sld [smem:$0x3FFE];
	_ =	sdelay $0x1  }
0x8a: {  	s1 =	srdreg.scid  }
0x8b: {  	s0 =	sand.u32 $0x1, s1  }
0x8c: {  	s17 =	sshll.u32 s0, $0xA;
	s2 =	sadd.s32 s3, s2  }
0x8d: {  	s2 =	sadd.s32 s2, s17  }
0x8e: {  	[smem:$0x3FC5] =	sst s2  }
0x8f: {  	_ = 	snop  }
0x90: {  	s2 =	sld [smem:$0x3FC9]  }
0x91: {  	s18 =	sld [smem:$0x3FC8];
	(tm) =	ssettm $0x1  }
0x92: {  	s4 =	sld [smem:$0x3FFB];
	_ =	sdelay $0x3  }
0x93: {  	_ =	strace s4  }
0x94: {  	s4 =	sld [smem:$0x3FFC];
	_ =	sdelay $0x3  }
0x95: {  	_ =	strace s4  }
0x96: {  	s4 =	sld [smem:$0x3FFD];
	_ =	sdelay $0x3  }
0x97: {  	_ =	strace s4  }
0x98: {  	_ =	strace $0x8FFFFFFF  }
0x99: {  	s19 =	sld [smem:$0x3FDB];
	_ =	sdelay $0x1  }
0x9a: {  	s5 =	simm.s32 $_scs_section_size  }
0x9b: {  	s6 =	simm.s32 $_size__tile_overlayer_lowered;
	s7 =	simm.s32 $_tile_overlayer_lowered  }
0x9c: {  	s22 =	simm.s32 $0x1BFF;
	s21 =	sshll.u32 s7, $0x1;
	s4 =	sadd.s32 s5, s19  }
0x9d: {  	s8 =	simm.s32 $0x0;
	s20 =	sshll.u32 s6, $0x1;
	s6 =	sadd.s32 s21, s4  }
0x9e: {  	[timem:s8], [sflag:s22] =	dma.local [hbm:s6], s20  }
0x9f: {  	_ =	swait.ge [sflag:s22], s20  }
0xa0: {  	s5 =	ssub.s32 $0x0, s20;
	[sflag:s22] =	ssyncset.done $0x0  }
0xa1: {  	[sflag:s22] =	ssyncadd.s32 s5;
	_ =	sdelay $0x1  }
0xa2: {  	s23 =	simm.s32 $0x1B8B  }
0xa3: {  	_ =	swait.ge [sflag:s23], $0x1  }
0xa4: {  	[sflag:s23] =	ssyncset.done $0x0  }
0xa5: {  	s25 =	simm.s32 $0x1B8E;
	s24 =	sld [smem:$0x3FFE];
	[sflag:s23] =	ssyncadd.s32 $0xFFFFFFFF  }
0xa6: {  	s26 =	simm.s32 $execute0_lowered;
	[smem:$0x3FD2] =	sst s25  }
0xa7: {  	s6 =	sshll.u32 s26, $0x1;
	_ =	strace $0x80000046;
	[dreg:$0x1] =	wrdreg $0xFFFFFFFF  }
0xa8: {  	s28 =	simm.s32 $_size_execute0_lowered;
	s4 =	sadd.s32 s4, s6;
	[dreg:$0x0] =	wrdreg $0x0  }
0xa9: {  	s6 =	sshll.u32 s28, $0x1;
	[dreg:$0x2] =	wrdreg s4  }
0xaa: {  	[dreg:$0x3] =	wrdreg s6  }
0xab: {  	[dreg:$0x4] =	wrdreg $0xC0  }
0xac: {  	_ =	task [dreg:s8], $0x5FFFF  }
0xad: {  	[dreg:$0x1] =	wrdreg $0xFFFFFFFF  }
0xae: {  	[dreg:$0x0] =	wrdreg $0x60  }
0xaf: {  	[dreg:$0x2] =	wrdreg s2  }
0xb0: {  	[dreg:$0x3] =	wrdreg s18  }
0xb1: {  	[dreg:$0x4] =	wrdreg s24  }
0xb2: {  	[dreg:$0x5] =	wrdreg $0x9  }
0xb3: {  	_ =	task.clear_ibuf [dreg:s8], $0x6FFFF;
	_ =	strace $0x90000046  }
0xb4: {  	s29 =	simm.s32 $0x9;
	_ =	strace $0x80000048  }
0xb5: {  	_ =	swait.ge [sflag:s29], $0x1  }
0xb6: {  	[sflag:s29] =	ssyncadd.s32 $0xFFFFFFFF  }
0xb7: {  	_ =	strace $0x90000048  }
0xb8: {  	_ =	sfence  }
0xb9: {  	s30 =	sld [smem:$0x0];
	_ =	sdelay $0x2  }
0xba: {  	s31 =	sshll.u32 s1, $0xD;
	s1 =	sshrl.u32 s1, $0x2  }
0xbb: {  	s3 =	sand.u32 $0x4000, s31;
	s1 =	sadd.s32 s1, s30  }
0xbc: {  	s0 =	sor.u32 s3, s0;
	s1 =	sshll.u32 s1, $0x11  }
0xbd: {  	s0 =	sor.u32 s1, s0  }
0xbe: {  	s0 =	sadd.s32 $0x8F2B, s0  }
0xbf: {  	[sflag:s0] =	ssyncadd.remote.s32 $0x1  }
0xc0: {  	_ =	sfence.sel $0xFFFF  }
0xc1: {  	[dreg:$0x0] =	wrdreg $0xFFFFFFFF;
	(pc) =	sbr.abs _section_cstart, $3  }
0xc2: {  	[dreg:$0x1] =	wrdreg $0xFFFFFFFF  }
0xc3: {  	_ =	task.clear_ibuf [dreg:s8], $0x2FFFF;
	_ =	strace $0x9FFFFFFF  }
0xc4: {  	(tm) =	ssettm $0x7FFFFFFF  }
0xc5: {  	_ =	shalt  }
tec
execute0_lowered:
.L_overlay_start_1:
0x0: {  	(tag) =	ssettag $0x1  }
0x1: {  	s1 =	rddreg [dreg:$0x0]  }
0x2: {  	s0 =	rddreg [dreg:$0x1]  }
0x3: {  	s2 =	srdreg.scid;
	s7 =	stileid.u32  }
0x4: {  	s4 =	rddreg [dreg:$0x2];
	s3 =	simm.s32 $0x0;
	s9 =	simm.s32 $0x80  }
0x5: {  	s11 =	simm.s32 $0xD00;
	s22 =	simm.s32 $0x980;
	s23 =	simm.s32 $0x1000  }
0x6: {  	s24 =	simm.s32 $0xA00;
	s25 =	simm.s32 $0x1080;
	s28 =	simm.s32 $0x1100  }
0x7: {  	s29 =	simm.s32 $0xB00;
	s30 =	simm.s32 $0x1180;
	s31 =	simm.s32 $0xB80  }
0x8: {  	s10 =	simm.s32 $0x1280;
	s12 =	simm.s32 $0x40;
	s13 =	simm.s32 $0xC80  }
0x9: {  	s14 =	simm.s32 $0x1300;
	s15 =	simm.s32 $0x1;
	s16 =	simm.s32 $0x0  }
0xa: {  	s2 =	sand.u32 $0x1, s2;
	s5 =	sshll.u32 s7, $0x1;
	s7 =	smul.u32 $0xC80, s7  }
0xb: {  	s5 =	sor.u32 s2, s5;
	s6 =	ssub.s32 $0x2, s2;
	s2 =	smul.u32 $0x640, s2  }
0xc: {  	[smem:$0x7FF] =	sst s3;
	s5 =	smul.u32 $0x640, s5;
	s26 =	sshrl.u32 s6, $0x1  }
0xd: {  	_ =	strace $0x80000047;
	s6 =	ssub.s32 s6, s26;
	s7 =	sadd.s32 s2, s7  }
0xe: {  	s26 =	simm.s32 $0xA80;
	s2 =	simm.s32 $0x1200;
	s5 =	sshrl.u32 s5, $0x3  }
0xf: {  	s6 =	smax.u32 s6, $0x1;
	s8 =	sadd.s32 s5, s4;
	s4 =	sadd.s32 s0, s5  }
0x10: {  	v0 =	vlaneseq.u32;
	s0 =	simm.s32 $0xC00;
	s5 =	sadd.s32 $0x200, s8;
	s8 =	simm.s32 $0x2  }
.LBB2_1:
0x11: {  	[tilespmem:s3], [sflag:$0x2] =	stream.linear.gather [hbm4b:s4+s3], $0x640, $0x38;
	[tilespmem:$0x1380] =	vst v63  }
0x12: {  	_ =	swait.ge [sflag:s8], $0x640  }
0x13: {  	[sflag:s8] =	ssyncset.done $0x0  }
0x14: {  	s17 =	simm.s32 $0x0;
	[sflag:s8] =	ssyncadd.s32 $0xFFFFF9C0  }
0x15: {  	v1 =	vld [tilespmem:s17+$0x0];
	_ =	sdelay $0x4  }
0x16: {  	s18 =	simm.s32 $0x10;
	v2 =	vshrl.u32 v1, $0x3;
	v1 =	vshll.u32 v1, $0x7  }
0x17: {  	v3 =	vmov s7;
	v2 =	vmul.u32 $0x190, v2;
	v4 =	vand.u32 $0x380, v1;
	v1 =	vld [tilespmem:s18+$0x0]  }
0x18: {  	v3 =	vshrl.u32 v3, $0x7  }
0x19: {  	v2 =	vadd.s32 v3, v2  }
0x1a: {  	v3 =	vor.u32 s7, v0;
	v2 =	vshll.u32 v2, $0xA  }
0x1b: {  	s20 =	simm.s32 $0x80;
	s19 =	sadd.s32 $0x10, s7;
	v3 =	vand.u32 $0x7F, v3;
	v2 =	vor.u32 v4, v2  }
.LBB2_2:
0x1c: {  	s21 =	sshra.s32 s20, $0x2;
	p0 =	sne.s32 s20, $0x18C0;
	s20 =	sadd.s32 $0x40, s20;
	v4 =	vshrl.u32 v1, $0x3;
	v2 =	vor.u32 v3, v2;
	v3 =	vmov v1  }
.Ltmp0:
0x1d: {  	v5 =	vmov s19;
	v1 =	vld [tilespmem:s21+$0x0];
	v4 =	vmul.u32 $0x190, v4;
	[tilespmem:s17+$0x680] =	vst v2;
	s17 =	smov.u32 s18;
	s18 =	smov.u32 s21;
	(pc) =	sbr.rel @p0 .LBB2_2-.Ltmp0, $4  }
0x1e: {  	v2 =	vshrl.u32 v5, $0x7  }
0x1f: {  	v3 =	vshll.u32 v3, $0x7;
	v2 =	vadd.s32 v2, v4  }
0x20: {  	v3 =	vand.u32 $0x380, v3;
	v4 =	vor.u32 s19, v0;
	v2 =	vshll.u32 v2, $0xA  }
0x21: {  	s19 =	sadd.s32 $0x10, s19;
	v2 =	vor.u32 v3, v2;
	v3 =	vand.u32 $0x7F, v4  }
0x22: {  	v4 =	vshrl.u32 v1, $0x3  }
0x23: {  	v5 =	vmov s19;
	v4 =	vmul.u32 $0x190, v4  }
0x24: {  	v5 =	vshrl.u32 v5, $0x7  }
0x25: {  	v1 =	vshll.u32 v1, $0x7;
	v4 =	vadd.s32 v5, v4  }
0x26: {  	v63 =	vor.u32 s19, v0;
	v1 =	vand.u32 $0x380, v1;
	v4 =	vshll.u32 v4, $0xA  }
0x27: {  	v2 =	vor.u32 v3, v2;
	v3 =	vand.u32 $0x7F, v63;
	v1 =	vor.u32 v1, v4  }
0x28: {  	[tilespmem:s17+$0x680] =	vst v2;
	v1 =	vor.u32 v3, v1  }
0x29: {  	s19 =	simm.s32 $0x680;
	[tilespmem:s18+$0x680] =	vst v1  }
0x2a: {  	[tilespmem:s11], [sflag:$0x1] =	stream.indirect.gather [hbm4b:s1+s9], $0x1, s19, s9, $0xb8;
	[tilespmem:$0x1380] =	vst v63  }
0x2b: {  	s20 =	simm.s32 $0x700;
	s21 =	simm.s32 $0xD80  }
0x2c: {  	[tilespmem:s21], [sflag:$0x1] =	stream.indirect.gather [hbm4b:s1+s9], $0x1, s20, s9, $0xb8;
	[tilespmem:$0x1380] =	vst v63  }
0x2d: {  	s18 =	simm.s32 $0x780;
	s19 =	simm.s32 $0xE00  }
0x2e: {  	[tilespmem:s19], [sflag:$0x1] =	stream.indirect.gather [hbm4b:s1+s9], $0x1, s18, s9, $0xb8;
	[tilespmem:$0x1380] =	vst v63  }
0x2f: {  	s20 =	simm.s32 $0x800;
	s21 =	simm.s32 $0xE80  }
0x30: {  	[tilespmem:s21], [sflag:$0x1] =	stream.indirect.gather [hbm4b:s1+s9], $0x1, s20, s9, $0xb8;
	[tilespmem:$0x1380] =	vst v63  }
0x31: {  	s18 =	simm.s32 $0x880;
	s19 =	simm.s32 $0xF00  }
0x32: {  	[tilespmem:s19], [sflag:$0x1] =	stream.indirect.gather [hbm4b:s1+s9], $0x1, s18, s9, $0xb8;
	[tilespmem:$0x1380] =	vst v63  }
0x33: {  	s20 =	simm.s32 $0x900;
	s21 =	simm.s32 $0xF80  }
0x34: {  	[tilespmem:s21], [sflag:$0x1] =	stream.indirect.gather [hbm4b:s1+s9], $0x1, s20, s9, $0xb8;
	[tilespmem:$0x1380] =	vst v63  }
0x35: {  	_ = 	snop  }
0x36: {  	[tilespmem:s23], [sflag:$0x1] =	stream.indirect.gather [hbm4b:s1+s9], $0x1, s22, s9, $0xb8;
	[tilespmem:$0x1380] =	vst v63  }
0x37: {  	_ = 	snop  }
0x38: {  	[tilespmem:s25], [sflag:$0x1] =	stream.indirect.gather [hbm4b:s1+s9], $0x1, s24, s9, $0xb8;
	[tilespmem:$0x1380] =	vst v63  }
0x39: {  	_ = 	snop  }
0x3a: {  	[tilespmem:s28], [sflag:$0x1] =	stream.indirect.gather [hbm4b:s1+s9], $0x1, s26, s9, $0xb8;
	[tilespmem:$0x1380] =	vst v63  }
0x3b: {  	_ = 	snop  }
0x3c: {  	[tilespmem:s30], [sflag:$0x1] =	stream.indirect.gather [hbm4b:s1+s9], $0x1, s29, s9, $0xb8;
	[tilespmem:$0x1380] =	vst v63  }
0x3d: {  	_ = 	snop  }
0x3e: {  	[tilespmem:s2], [sflag:$0x1] =	stream.indirect.gather [hbm4b:s1+s9], $0x1, s31, s9, $0xb8;
	[tilespmem:$0x1380] =	vst v63  }
0x3f: {  	_ = 	snop  }
0x40: {  	[tilespmem:s10], [sflag:$0x1] =	stream.indirect.gather [hbm4b:s1+s9], $0x1, s0, s9, $0xb8;
	[tilespmem:$0x1380] =	vst v63  }
0x41: {  	_ = 	snop  }
0x42: {  	[tilespmem:s14], [sflag:$0x1] =	stream.indirect.gather [hbm4b:s1+s12], $0x1, s13, s12, $0xb8;
	[tilespmem:$0x1380] =	vst v63  }
0x43: {  	_ =	swait.ge [sflag:s15], $0x80  }
0x44: {  	[sflag:s15] =	ssyncset.done $0x0  }
0x45: {  	[sflag:s15] =	ssyncadd.s32 $0xFFFFFF80  }
0x46: {  	_ =	swait.ge [sflag:s15], $0x80  }
0x47: {  	[sflag:s15] =	ssyncset.done $0x0  }
0x48: {  	[sflag:s15] =	ssyncadd.s32 $0xFFFFFF80  }
0x49: {  	_ =	swait.ge [sflag:s15], $0x80  }
0x4a: {  	[sflag:s15] =	ssyncset.done $0x0  }
0x4b: {  	[sflag:s15] =	ssyncadd.s32 $0xFFFFFF80  }
0x4c: {  	_ =	swait.ge [sflag:s15], $0x80  }
0x4d: {  	[sflag:s15] =	ssyncset.done $0x0  }
0x4e: {  	[sflag:s15] =	ssyncadd.s32 $0xFFFFFF80  }
0x4f: {  	_ =	swait.ge [sflag:s15], $0x80  }
0x50: {  	[sflag:s15] =	ssyncset.done $0x0  }
0x51: {  	[sflag:s15] =	ssyncadd.s32 $0xFFFFFF80  }
0x52: {  	_ =	swait.ge [sflag:s15], $0x80  }
0x53: {  	[sflag:s15] =	ssyncset.done $0x0  }
0x54: {  	[sflag:s15] =	ssyncadd.s32 $0xFFFFFF80  }
0x55: {  	_ =	swait.ge [sflag:s15], $0x80  }
0x56: {  	[sflag:s15] =	ssyncset.done $0x0  }
0x57: {  	[sflag:s15] =	ssyncadd.s32 $0xFFFFFF80  }
0x58: {  	_ =	swait.ge [sflag:s15], $0x80  }
0x59: {  	[sflag:s15] =	ssyncset.done $0x0  }
0x5a: {  	[sflag:s15] =	ssyncadd.s32 $0xFFFFFF80  }
0x5b: {  	_ =	swait.ge [sflag:s15], $0x80  }
0x5c: {  	[sflag:s15] =	ssyncset.done $0x0  }
0x5d: {  	[sflag:s15] =	ssyncadd.s32 $0xFFFFFF80  }
0x5e: {  	_ =	swait.ge [sflag:s15], $0x80  }
0x5f: {  	[sflag:s15] =	ssyncset.done $0x0  }
0x60: {  	[sflag:s15] =	ssyncadd.s32 $0xFFFFFF80  }
0x61: {  	_ =	swait.ge [sflag:s15], $0x80  }
0x62: {  	[sflag:s15] =	ssyncset.done $0x0  }
0x63: {  	[sflag:s15] =	ssyncadd.s32 $0xFFFFFF80  }
0x64: {  	_ =	swait.ge [sflag:s15], $0x80  }
0x65: {  	[sflag:s15] =	ssyncset.done $0x0  }
0x66: {  	[sflag:s15] =	ssyncadd.s32 $0xFFFFFF80  }
0x67: {  	_ =	swait.ge [sflag:s15], $0x40  }
0x68: {  	[sflag:s15] =	ssyncset.done $0x0  }
0x69: {  	s17 =	simm.s32 $0x0;
	[sflag:s15] =	ssyncadd.s32 $0xFFFFFFC0  }
0x6a: {  	v1 =	vld [tilespmem:s17+$0x0]  }
0x6b: {  	v2 =	vld [tilespmem:s17+$0xD00];
	_ =	sdelay $0x3  }
0x6c: {  	vm0 =	veq.s32 v1, $0x0  }
0x6d: {  	s19 =	simm.s32 $0x10;
	s18 =	simm.s32 $0x80;
	v1 =	vsel vm0, $0x0, v2  }
.LBB2_4:
0x6e: {  	p0 =	sne.s32 s18, $0x18C0;
	v2 =	vld [tilespmem:s19+$0x0];
	[tilespmem:s17+$0xD00] =	vst v1;
	s17 =	smov.u32 s19  }
0x6f: {  	v1 =	vld [tilespmem:s17+$0xD00]  }
.Ltmp1:
0x70: {  	(pc) =	sbr.rel @p0 .LBB2_4-.Ltmp1, $3  }
0x71: {  	_ =	sdelay $0x1  }
0x72: {  	vm0 =	veq.s32 v2, $0x0  }
0x73: {  	s19 =	sshra.s32 s18, $0x2;
	s18 =	sadd.s32 $0x40, s18;
	v1 =	vsel vm0, $0x0, v1  }
0x74: {  	v2 =	vld [tilespmem:s19+$0x0];
	[tilespmem:s17+$0xD00] =	vst v1  }
0x75: {  	v1 =	vld [tilespmem:s19+$0xD00];
	_ =	sdelay $0x3  }
0x76: {  	s16 =	sadd.s32 $0x1, s16;
	vm0 =	veq.s32 v2, $0x0  }
0x77: {  	p0 =	sne.s32 s16, s6;
	v1 =	vsel vm0, $0x0, v1  }
.Ltmp2:
0x78: {  	[tilespmem:s19+$0xD00] =	vst v1;
	(pc) =	sbr.rel @p0 .LBB2_1-.Ltmp2, $4  }
0x79: {  	[hbm4b:s5+s3] =	stream.linear.scatter [tilespmem:s11], [sflag:$0x2], $0x640, $0x38;
	[tilespmem:$0x1380] =	vst v63  }
0x7a: {  	_ =	swait.ge [sflag:s8], $0x640  }
0x7b: {  	[sflag:s8] =	ssyncset.done $0x0  }
0x7c: {  	[sflag:s8] =	ssyncadd.s32 $0xFFFFF9C0  }
0x7d: {  	_ =	sfence.sel $0x180000  }
0x7e: {  	[bflag:$0x0] =	sbarrier.arrive $0xFFFF  }
0x7f: {  	_ =	strace $0x90000047  }
0x80: {  	s0 =	stileid.u32;
	[bflag:$0x2] =	sbarrier.arrive $0xFFFF  }
0x81: {  	p0 =	sne.s32 s0, $0x0;
	s0 =	rddreg [dreg:$0x3]  }
0x82: {  	s0 =	sadd.s32 @!p0 $0x100000, s0  }
0x83: {  	[sflag:s0] =	ssyncadd.tile.s32 @!p0 $0x1;
	_ =	shalt  }
.Lfunc_end2:
_tile_overlayer_lowered:
.L_overlay_start_2:
0x84: {  	(tag) =	ssettag $0x2  }
0x85: {  	s0 =	rddreg [dreg:$0x0];
	s2 =	stileid.u32  }
0x86: {  	s1 =	rddreg [dreg:$0x1];
	p0 =	sne.s32 s2, $0x0  }
0x87: {  	s3 =	rddreg [dreg:$0x2];
	[bflag:$0x3] =	sbarrier.arrive $0xFFFF;
	s2 =	simm.s32 @!p0 $0x1C02  }
0x88: {  	[timem:s3], [sflag:s2] =	dma.local @!p0 [hbm:s0], s1  }
0x89: {  	s0 =	simm.s32 @!p0 $0x2  }
0x8a: {  	_ =	swait.ge @!p0 [sflag:s0], s1  }
0x8b: {  	s1 =	ssub.s32 @!p0 $0x0, s1;
	[sflag:s0] =	ssyncset.done @!p0 $0x0  }
0x8c: {  	[sflag:s0] =	ssyncadd.s32 @!p0 s1  }
0x8d: {  	[bflag:$0x3] =	sbarrier.arrive $0xFFFF  }
0x8e: {  	_ =	shalt  }

</sc_bundles>
